<compile_context>
chip_gen: v7x
topology: tpu7x:2x2x1
jax: 0.10.2.dev20260603
libtpu: 0.0.44.dev20260713+nightly
codegen_flags: <defaults>
</compile_context>

<pallas_src>
import functools

import jax
import jax.numpy as jnp
from jax import lax
from jax.experimental import pallas as pl
from jax.experimental.pallas import tpu as pltpu
from jax.experimental.pallas import tpu_sc as plsc

_LANES = 16


@functools.cache
def _build_gather(rows, seq_len, dim, tokens_per_batch, rpw, num_workers):
    active = rows // rpw
    assert active * rpw == rows and active <= num_workers
    mesh = plsc.VectorSubcoreMesh(core_axis_name="c", subcore_axis_name="s")

    nch = 4
    cpw = rpw // nch
    assert cpw % 8 == 0

    @functools.partial(
        pl.kernel,
        mesh=mesh,
        out_type=jax.ShapeDtypeStruct((rows, dim), jnp.float32),
        scratch_types=[
            pltpu.VMEM((rpw,), jnp.int32),
            pltpu.VMEM((rpw, dim), jnp.float32),
            pltpu.SemaphoreType.DMA,
            pltpu.SemaphoreType.DMA,
            pltpu.SemaphoreType.DMA,
            pltpu.SemaphoreType.DMA,
            pltpu.SemaphoreType.DMA,
        ],
    )
    def gather_kernel(
        table_hbm, tok_hbm, out_hbm, idx_v, rows_v, gsem0, gsem1, gsem2, gsem3, wsem
    ):
        wid = lax.axis_index("s") * 2 + lax.axis_index("c")

        @pl.when(wid < active)
        def _():
            base = wid * rpw
            pltpu.sync_copy(tok_hbm.at[pl.ds(base, rpw)], idx_v)
            gsems = [gsem0, gsem1, gsem2, gsem3]
            gathers = [
                pltpu.async_copy(
                    table_hbm.at[idx_v.at[pl.ds(ch * cpw, cpw)]],
                    rows_v.at[pl.ds(ch * cpw, cpw)],
                    gsems[ch],
                )
                for ch in range(nch)
            ]
            writes = []
            for ch in range(nch):
                gathers[ch].wait()
                writes.append(
                    pltpu.async_copy(
                        rows_v.at[pl.ds(ch * cpw, cpw)],
                        out_hbm.at[pl.ds(base + ch * cpw, cpw)],
                        wsem,
                    )
                )
            for w in writes:
                w.wait()

    return gather_kernel


def kernel(sequence_embedding, tokens):
    batch, seq_len, dim = sequence_embedding.shape
    _, tokens_per_batch = tokens.shape
    rows = batch * tokens_per_batch
    table = sequence_embedding.reshape(batch * seq_len, dim)
    offsets = jnp.arange(batch, dtype=tokens.dtype)[:, None] * seq_len
    flat_tokens = (tokens + offsets).reshape(rows)
    gather = _build_gather(rows, seq_len, dim, tokens_per_batch, 32, 32)
    out = gather(table, flat_tokens)
    return out.reshape(batch, tokens_per_batch * dim)

# --- scband reference (transcript-rebuilt; emitter-appended) ---
"""Pipeline reference for scband-token-extract-layer-25864293057039 (READ-ONLY COPY).

The authoritative reference and input builder live on the scoring server;
editing this copy changes nothing except your own understanding.
"""

import jax, jax.numpy as jnp
import numpy as np


def setup_inputs(seed: int = 0) -> dict:
    key = jax.random.key(seed)
    k1, k2 = jax.random.split(key)
    sequence_embedding = jax.random.normal(k1, (4, 8192, 1024), dtype=jnp.float32)
    tokens = jax.random.randint(k2, (4, 200), 0, 8192, dtype=jnp.int32)
    return {"sequence_embedding": sequence_embedding, "tokens": tokens}


def reference(sequence_embedding, tokens):
    # tf.compat.v1.batch_gather: per-batch gather along the sequence axis.
    # indices (B, T) -> expand to (B, T, 1) and take_along_axis over axis=1,
    # broadcasting across the embedding dim -> (B, T, D)
    emb = jnp.take_along_axis(sequence_embedding, tokens[:, :, None], axis=1)
    token_num = emb.shape[-2]
    embed_dim = emb.shape[-1]
    # tf.reshape(embedding, (-1, T*D))
    return emb.reshape(-1, token_num * embed_dim)

if __name__ == "__main__":
    import jax
    _d = setup_inputs()
    print(jax.jit(kernel)(*tuple(_d.values())))

</pallas_src>

<mosaic_0001>
#map = affine_map<(d0, d1) -> (0, 0)>
#map1 = affine_map<(d0, d1) -> (0)>
module attributes {stable_mosaic.version = 14 : i64} {
  func.func @gather_kernel(%arg0: i32, %arg1: i32, %arg2: memref<32768x1024xf32, #tpu.memory_space<hbm>>, %arg3: memref<800xi32, #tpu.memory_space<hbm>>, %arg4: memref<800x1024xf32, #tpu.memory_space<hbm>>, %arg5: memref<32xi32, #tpu.memory_space<vmem>>, %arg6: memref<32x1024xf32, #tpu.memory_space<vmem>>, %arg7: memref<!tpu.dma_semaphore, #tpu.memory_space<semaphore_mem>>, %arg8: memref<!tpu.dma_semaphore, #tpu.memory_space<semaphore_mem>>, %arg9: memref<!tpu.dma_semaphore, #tpu.memory_space<semaphore_mem>>, %arg10: memref<!tpu.dma_semaphore, #tpu.memory_space<semaphore_mem>>, %arg11: memref<!tpu.dma_semaphore, #tpu.memory_space<semaphore_mem>>) attributes {dimension_semantics = [#tpu.dimension_semantics<core_parallel>, #tpu.dimension_semantics<subcore_parallel>], iteration_bounds = array<i64: 2, 16>, scalar_prefetch = 0 : i64, scratch_operands = 7 : i64, tpu.core_type = #tpu.core_type<sc_vector_subcore>, window_params = [{transform_indices = #map}, {transform_indices = #map1}, {transform_indices = #map}]} {
    %mul3A = arith.constant 2 : i32
    %mul3A_0 = arith.muli %arg1, %mul3A : i32
    %add3A = arith.addi %mul3A_0, %arg0 : i32
    %lt3A = arith.constant 25 : i32
    %lt3A_1 = arith.cmpi slt, %add3A, %lt3A : i32
    %convert_element_type3A = arith.extui %lt3A_1 : i1 to i32
    %cond3A = arith.constant 0 : i32
    %cond3A_2 = arith.cmpi ne, %convert_element_type3A, %cond3A : i32
    scf.if %cond3A_2 {
      %mul3A_3 = arith.constant 32 : i32
      %mul3A_4 = arith.muli %add3A, %mul3A_3 : i32
      "tpu.region"() ({
        %run_scoped3A = tpu.sem_alloc : memref<!tpu.dma_semaphore, #tpu.memory_space<semaphore_mem>>
        %dma_start3A_155 = tpu.memref_slice %arg3[%mul3A_4] : memref<800xi32, #tpu.memory_space<hbm>> -> memref<32xi32, #tpu.memory_space<hbm>>
        %dma_start3A_156 = tpu.memref_slice %arg3[%mul3A_4] : memref<800xi32, #tpu.memory_space<hbm>> -> memref<32xi32, #tpu.memory_space<hbm>>
        tpu.enqueue_dma source(%dma_start3A_156 : memref<32xi32, #tpu.memory_space<hbm>>) target(%arg5 : memref<32xi32, #tpu.memory_space<vmem>>) target_semaphore(%run_scoped3A : memref<!tpu.dma_semaphore, #tpu.memory_space<semaphore_mem>>)
        %dma_wait3A_157 = tpu.memref_slice %arg3[%mul3A_4] : memref<800xi32, #tpu.memory_space<hbm>> -> memref<32xi32, #tpu.memory_space<hbm>>
        %dma_wait3A_158 = tpu.memref_slice %arg3[%mul3A_4] : memref<800xi32, #tpu.memory_space<hbm>> -> memref<32xi32, #tpu.memory_space<hbm>>
        tpu.wait_dma2 semaphore(%run_scoped3A : memref<!tpu.dma_semaphore, #tpu.memory_space<semaphore_mem>>) src(%dma_wait3A_158 : memref<32xi32, #tpu.memory_space<hbm>>) dst(%arg5 : memref<32xi32, #tpu.memory_space<vmem>>)
        tpu.yield
      }) : () -> ()
      %dma_start3A = arith.constant 0 : i32
      %dma_start3A_5 = arith.constant 0 : i32
      %dma_start3A_6 = tpu.memref_slice %arg6[%dma_start3A, %dma_start3A_5] : memref<32x1024xf32, #tpu.memory_space<vmem>> -> memref<8x1024xf32, #tpu.memory_space<vmem>>
      %dma_start3A_7 = arith.constant 0 : i32
      %dma_start3A_8 = tpu.memref_slice %arg5[%dma_start3A_7] : memref<32xi32, #tpu.memory_space<vmem>> -> memref<8xi32, #tpu.memory_space<vmem>>
      %dma_start3A_9 = arith.constant 0 : i32
      %dma_start3A_10 = arith.constant 0 : i32
      %dma_start3A_11 = tpu.memref_slice %arg2[%dma_start3A_9, %dma_start3A_10] : memref<32768x1024xf32, #tpu.memory_space<hbm>> -> memref<32768x1024xf32, #tpu.memory_space<hbm>>
      tpu.enqueue_indirect_dma source(%dma_start3A_11 : memref<32768x1024xf32, #tpu.memory_space<hbm>>) target(%dma_start3A_6 : memref<8x1024xf32, #tpu.memory_space<vmem>>) offsets(%dma_start3A_8 : memref<8xi32, #tpu.memory_space<vmem>>) semaphore(%arg7 : memref<!tpu.dma_semaphore, #tpu.memory_space<semaphore_mem>>)
      %dma_start3A_12 = arith.constant 8 : i32
      %dma_start3A_13 = arith.constant 0 : i32
      %dma_start3A_14 = tpu.memref_slice %arg6[%dma_start3A_12, %dma_start3A_13] : memref<32x1024xf32, #tpu.memory_space<vmem>> -> memref<8x1024xf32, #tpu.memory_space<vmem>>
      %dma_start3A_15 = arith.constant 8 : i32
      %dma_start3A_16 = tpu.memref_slice %arg5[%dma_start3A_15] : memref<32xi32, #tpu.memory_space<vmem>> -> memref<8xi32, #tpu.memory_space<vmem>>
      %dma_start3A_17 = arith.constant 0 : i32
      %dma_start3A_18 = arith.constant 0 : i32
      %dma_start3A_19 = tpu.memref_slice %arg2[%dma_start3A_17, %dma_start3A_18] : memref<32768x1024xf32, #tpu.memory_space<hbm>> -> memref<32768x1024xf32, #tpu.memory_space<hbm>>
      tpu.enqueue_indirect_dma source(%dma_start3A_19 : memref<32768x1024xf32, #tpu.memory_space<hbm>>) target(%dma_start3A_14 : memref<8x1024xf32, #tpu.memory_space<vmem>>) offsets(%dma_start3A_16 : memref<8xi32, #tpu.memory_space<vmem>>) semaphore(%arg8 : memref<!tpu.dma_semaphore, #tpu.memory_space<semaphore_mem>>)
      %dma_start3A_20 = arith.constant 16 : i32
      %dma_start3A_21 = arith.constant 0 : i32
      %dma_start3A_22 = tpu.memref_slice %arg6[%dma_start3A_20, %dma_start3A_21] : memref<32x1024xf32, #tpu.memory_space<vmem>> -> memref<8x1024xf32, #tpu.memory_space<vmem>>
      %dma_start3A_23 = arith.constant 16 : i32
      %dma_start3A_24 = tpu.memref_slice %arg5[%dma_start3A_23] : memref<32xi32, #tpu.memory_space<vmem>> -> memref<8xi32, #tpu.memory_space<vmem>>
      %dma_start3A_25 = arith.constant 0 : i32
      %dma_start3A_26 = arith.constant 0 : i32
      %dma_start3A_27 = tpu.memref_slice %arg2[%dma_start3A_25, %dma_start3A_26] : memref<32768x1024xf32, #tpu.memory_space<hbm>> -> memref<32768x1024xf32, #tpu.memory_space<hbm>>
      tpu.enqueue_indirect_dma source(%dma_start3A_27 : memref<32768x1024xf32, #tpu.memory_space<hbm>>) target(%dma_start3A_22 : memref<8x1024xf32, #tpu.memory_space<vmem>>) offsets(%dma_start3A_24 : memref<8xi32, #tpu.memory_space<vmem>>) semaphore(%arg9 : memref<!tpu.dma_semaphore, #tpu.memory_space<semaphore_mem>>)
      %dma_start3A_28 = arith.constant 24 : i32
      %dma_start3A_29 = arith.constant 0 : i32
      %dma_start3A_30 = tpu.memref_slice %arg6[%dma_start3A_28, %dma_start3A_29] : memref<32x1024xf32, #tpu.memory_space<vmem>> -> memref<8x1024xf32, #tpu.memory_space<vmem>>
      %dma_start3A_31 = arith.constant 24 : i32
      %dma_start3A_32 = tpu.memref_slice %arg5[%dma_start3A_31] : memref<32xi32, #tpu.memory_space<vmem>> -> memref<8xi32, #tpu.memory_space<vmem>>
      %dma_start3A_33 = arith.constant 0 : i32
      %dma_start3A_34 = arith.constant 0 : i32
      %dma_start3A_35 = tpu.memref_slice %arg2[%dma_start3A_33, %dma_start3A_34] : memref<32768x1024xf32, #tpu.memory_space<hbm>> -> memref<32768x1024xf32, #tpu.memory_space<hbm>>
      tpu.enqueue_indirect_dma source(%dma_start3A_35 : memref<32768x1024xf32, #tpu.memory_space<hbm>>) target(%dma_start3A_30 : memref<8x1024xf32, #tpu.memory_space<vmem>>) offsets(%dma_start3A_32 : memref<8xi32, #tpu.memory_space<vmem>>) semaphore(%arg10 : memref<!tpu.dma_semaphore, #tpu.memory_space<semaphore_mem>>)
      %dma_wait3A = arith.constant 0 : i32
      %dma_wait3A_36 = arith.constant 0 : i32
      %dma_wait3A_37 = tpu.memref_slice %arg6[%dma_wait3A, %dma_wait3A_36] : memref<32x1024xf32, #tpu.memory_space<vmem>> -> memref<8x1024xf32, #tpu.memory_space<vmem>>
      %dma_wait3A_38 = arith.constant 0 : i32
      %dma_wait3A_39 = tpu.memref_slice %arg5[%dma_wait3A_38] : memref<32xi32, #tpu.memory_space<vmem>> -> memref<8xi32, #tpu.memory_space<vmem>>
      %dma_wait3A_40 = arith.constant 0 : i32
      %dma_wait3A_41 = arith.constant 0 : i32
      %dma_wait3A_42 = tpu.memref_slice %arg2[%dma_wait3A_40, %dma_wait3A_41] : memref<32768x1024xf32, #tpu.memory_space<hbm>> -> memref<32768x1024xf32, #tpu.memory_space<hbm>>
      tpu.wait_indirect_dma semaphore(%arg7 : memref<!tpu.dma_semaphore, #tpu.memory_space<semaphore_mem>>) src(%dma_wait3A_42 : memref<32768x1024xf32, #tpu.memory_space<hbm>>) dst(%dma_wait3A_37 : memref<8x1024xf32, #tpu.memory_space<vmem>>)
      %add3A_43 = arith.constant 0 : i32
      %add3A_44 = arith.addi %mul3A_4, %add3A_43 : i32
      %dma_start3A_45 = arith.constant 0 : i32
      %dma_start3A_46 = arith.constant 0 : i32
      %dma_start3A_47 = tpu.memref_slice %arg6[%dma_start3A_45, %dma_start3A_46] : memref<32x1024xf32, #tpu.memory_space<vmem>> -> memref<8x1024xf32, #tpu.memory_space<vmem>>
      %dma_start3A_48 = arith.constant 0 : i32
      %dma_start3A_49 = tpu.memref_slice %arg4[%add3A_44, %dma_start3A_48] : memref<800x1024xf32, #tpu.memory_space<hbm>> -> memref<8x1024xf32, #tpu.memory_space<hbm>>
      %dma_start3A_50 = arith.constant 0 : i32
      %dma_start3A_51 = tpu.memref_slice %arg4[%add3A_44, %dma_start3A_50] : memref<800x1024xf32, #tpu.memory_space<hbm>> -> memref<8x1024xf32, #tpu.memory_space<hbm>>
      %dma_start3A_52 = arith.constant 0 : i32
      %dma_start3A_53 = arith.constant 0 : i32
      %dma_start3A_54 = tpu.memref_slice %arg6[%dma_start3A_52, %dma_start3A_53] : memref<32x1024xf32, #tpu.memory_space<vmem>> -> memref<8x1024xf32, #tpu.memory_space<vmem>>
      tpu.enqueue_dma source(%dma_start3A_54 : memref<8x1024xf32, #tpu.memory_space<vmem>>) target(%dma_start3A_51 : memref<8x1024xf32, #tpu.memory_space<hbm>>) target_semaphore(%arg11 : memref<!tpu.dma_semaphore, #tpu.memory_space<semaphore_mem>>)
      %dma_wait3A_55 = arith.constant 8 : i32
      %dma_wait3A_56 = arith.constant 0 : i32
      %dma_wait3A_57 = tpu.memref_slice %arg6[%dma_wait3A_55, %dma_wait3A_56] : memref<32x1024xf32, #tpu.memory_space<vmem>> -> memref<8x1024xf32, #tpu.memory_space<vmem>>
      %dma_wait3A_58 = arith.constant 8 : i32
      %dma_wait3A_59 = tpu.memref_slice %arg5[%dma_wait3A_58] : memref<32xi32, #tpu.memory_space<vmem>> -> memref<8xi32, #tpu.memory_space<vmem>>
      %dma_wait3A_60 = arith.constant 0 : i32
      %dma_wait3A_61 = arith.constant 0 : i32
      %dma_wait3A_62 = tpu.memref_slice %arg2[%dma_wait3A_60, %dma_wait3A_61] : memref<32768x1024xf32, #tpu.memory_space<hbm>> -> memref<32768x1024xf32, #tpu.memory_space<hbm>>
      tpu.wait_indirect_dma semaphore(%arg8 : memref<!tpu.dma_semaphore, #tpu.memory_space<semaphore_mem>>) src(%dma_wait3A_62 : memref<32768x1024xf32, #tpu.memory_space<hbm>>) dst(%dma_wait3A_57 : memref<8x1024xf32, #tpu.memory_space<vmem>>)
      %add3A_63 = arith.constant 8 : i32
      %add3A_64 = arith.addi %mul3A_4, %add3A_63 : i32
      %dma_start3A_65 = arith.constant 8 : i32
      %dma_start3A_66 = arith.constant 0 : i32
      %dma_start3A_67 = tpu.memref_slice %arg6[%dma_start3A_65, %dma_start3A_66] : memref<32x1024xf32, #tpu.memory_space<vmem>> -> memref<8x1024xf32, #tpu.memory_space<vmem>>
      %dma_start3A_68 = arith.constant 0 : i32
      %dma_start3A_69 = tpu.memref_slice %arg4[%add3A_64, %dma_start3A_68] : memref<800x1024xf32, #tpu.memory_space<hbm>> -> memref<8x1024xf32, #tpu.memory_space<hbm>>
      %dma_start3A_70 = arith.constant 0 : i32
      %dma_start3A_71 = tpu.memref_slice %arg4[%add3A_64, %dma_start3A_70] : memref<800x1024xf32, #tpu.memory_space<hbm>> -> memref<8x1024xf32, #tpu.memory_space<hbm>>
      %dma_start3A_72 = arith.constant 8 : i32
      %dma_start3A_73 = arith.constant 0 : i32
      %dma_start3A_74 = tpu.memref_slice %arg6[%dma_start3A_72, %dma_start3A_73] : memref<32x1024xf32, #tpu.memory_space<vmem>> -> memref<8x1024xf32, #tpu.memory_space<vmem>>
      tpu.enqueue_dma source(%dma_start3A_74 : memref<8x1024xf32, #tpu.memory_space<vmem>>) target(%dma_start3A_71 : memref<8x1024xf32, #tpu.memory_space<hbm>>) target_semaphore(%arg11 : memref<!tpu.dma_semaphore, #tpu.memory_space<semaphore_mem>>)
      %dma_wait3A_75 = arith.constant 16 : i32
      %dma_wait3A_76 = arith.constant 0 : i32
      %dma_wait3A_77 = tpu.memref_slice %arg6[%dma_wait3A_75, %dma_wait3A_76] : memref<32x1024xf32, #tpu.memory_space<vmem>> -> memref<8x1024xf32, #tpu.memory_space<vmem>>
      %dma_wait3A_78 = arith.constant 16 : i32
      %dma_wait3A_79 = tpu.memref_slice %arg5[%dma_wait3A_78] : memref<32xi32, #tpu.memory_space<vmem>> -> memref<8xi32, #tpu.memory_space<vmem>>
      %dma_wait3A_80 = arith.constant 0 : i32
      %dma_wait3A_81 = arith.constant 0 : i32
      %dma_wait3A_82 = tpu.memref_slice %arg2[%dma_wait3A_80, %dma_wait3A_81] : memref<32768x1024xf32, #tpu.memory_space<hbm>> -> memref<32768x1024xf32, #tpu.memory_space<hbm>>
      tpu.wait_indirect_dma semaphore(%arg9 : memref<!tpu.dma_semaphore, #tpu.memory_space<semaphore_mem>>) src(%dma_wait3A_82 : memref<32768x1024xf32, #tpu.memory_space<hbm>>) dst(%dma_wait3A_77 : memref<8x1024xf32, #tpu.memory_space<vmem>>)
      %add3A_83 = arith.constant 16 : i32
      %add3A_84 = arith.addi %mul3A_4, %add3A_83 : i32
      %dma_start3A_85 = arith.constant 16 : i32
      %dma_start3A_86 = arith.constant 0 : i32
      %dma_start3A_87 = tpu.memref_slice %arg6[%dma_start3A_85, %dma_start3A_86] : memref<32x1024xf32, #tpu.memory_space<vmem>> -> memref<8x1024xf32, #tpu.memory_space<vmem>>
      %dma_start3A_88 = arith.constant 0 : i32
      %dma_start3A_89 = tpu.memref_slice %arg4[%add3A_84, %dma_start3A_88] : memref<800x1024xf32, #tpu.memory_space<hbm>> -> memref<8x1024xf32, #tpu.memory_space<hbm>>
      %dma_start3A_90 = arith.constant 0 : i32
      %dma_start3A_91 = tpu.memref_slice %arg4[%add3A_84, %dma_start3A_90] : memref<800x1024xf32, #tpu.memory_space<hbm>> -> memref<8x1024xf32, #tpu.memory_space<hbm>>
      %dma_start3A_92 = arith.constant 16 : i32
      %dma_start3A_93 = arith.constant 0 : i32
      %dma_start3A_94 = tpu.memref_slice %arg6[%dma_start3A_92, %dma_start3A_93] : memref<32x1024xf32, #tpu.memory_space<vmem>> -> memref<8x1024xf32, #tpu.memory_space<vmem>>
      tpu.enqueue_dma source(%dma_start3A_94 : memref<8x1024xf32, #tpu.memory_space<vmem>>) target(%dma_start3A_91 : memref<8x1024xf32, #tpu.memory_space<hbm>>) target_semaphore(%arg11 : memref<!tpu.dma_semaphore, #tpu.memory_space<semaphore_mem>>)
      %dma_wait3A_95 = arith.constant 24 : i32
      %dma_wait3A_96 = arith.constant 0 : i32
      %dma_wait3A_97 = tpu.memref_slice %arg6[%dma_wait3A_95, %dma_wait3A_96] : memref<32x1024xf32, #tpu.memory_space<vmem>> -> memref<8x1024xf32, #tpu.memory_space<vmem>>
      %dma_wait3A_98 = arith.constant 24 : i32
      %dma_wait3A_99 = tpu.memref_slice %arg5[%dma_wait3A_98] : memref<32xi32, #tpu.memory_space<vmem>> -> memref<8xi32, #tpu.memory_space<vmem>>
      %dma_wait3A_100 = arith.constant 0 : i32
      %dma_wait3A_101 = arith.constant 0 : i32
      %dma_wait3A_102 = tpu.memref_slice %arg2[%dma_wait3A_100, %dma_wait3A_101] : memref<32768x1024xf32, #tpu.memory_space<hbm>> -> memref<32768x1024xf32, #tpu.memory_space<hbm>>
      tpu.wait_indirect_dma semaphore(%arg10 : memref<!tpu.dma_semaphore, #tpu.memory_space<semaphore_mem>>) src(%dma_wait3A_102 : memref<32768x1024xf32, #tpu.memory_space<hbm>>) dst(%dma_wait3A_97 : memref<8x1024xf32, #tpu.memory_space<vmem>>)
      %add3A_103 = arith.constant 24 : i32
      %add3A_104 = arith.addi %mul3A_4, %add3A_103 : i32
      %dma_start3A_105 = arith.constant 24 : i32
      %dma_start3A_106 = arith.constant 0 : i32
      %dma_start3A_107 = tpu.memref_slice %arg6[%dma_start3A_105, %dma_start3A_106] : memref<32x1024xf32, #tpu.memory_space<vmem>> -> memref<8x1024xf32, #tpu.memory_space<vmem>>
      %dma_start3A_108 = arith.constant 0 : i32
      %dma_start3A_109 = tpu.memref_slice %arg4[%add3A_104, %dma_start3A_108] : memref<800x1024xf32, #tpu.memory_space<hbm>> -> memref<8x1024xf32, #tpu.memory_space<hbm>>
      %dma_start3A_110 = arith.constant 0 : i32
      %dma_start3A_111 = tpu.memref_slice %arg4[%add3A_104, %dma_start3A_110] : memref<800x1024xf32, #tpu.memory_space<hbm>> -> memref<8x1024xf32, #tpu.memory_space<hbm>>
      %dma_start3A_112 = arith.constant 24 : i32
      %dma_start3A_113 = arith.constant 0 : i32
      %dma_start3A_114 = tpu.memref_slice %arg6[%dma_start3A_112, %dma_start3A_113] : memref<32x1024xf32, #tpu.memory_space<vmem>> -> memref<8x1024xf32, #tpu.memory_space<vmem>>
      tpu.enqueue_dma source(%dma_start3A_114 : memref<8x1024xf32, #tpu.memory_space<vmem>>) target(%dma_start3A_111 : memref<8x1024xf32, #tpu.memory_space<hbm>>) target_semaphore(%arg11 : memref<!tpu.dma_semaphore, #tpu.memory_space<semaphore_mem>>)
      %dma_wait3A_115 = arith.constant 0 : i32
      %dma_wait3A_116 = arith.constant 0 : i32
      %dma_wait3A_117 = tpu.memref_slice %arg6[%dma_wait3A_115, %dma_wait3A_116] : memref<32x1024xf32, #tpu.memory_space<vmem>> -> memref<8x1024xf32, #tpu.memory_space<vmem>>
      %dma_wait3A_118 = arith.constant 0 : i32
      %dma_wait3A_119 = tpu.memref_slice %arg4[%add3A_44, %dma_wait3A_118] : memref<800x1024xf32, #tpu.memory_space<hbm>> -> memref<8x1024xf32, #tpu.memory_space<hbm>>
      %dma_wait3A_120 = arith.constant 0 : i32
      %dma_wait3A_121 = tpu.memref_slice %arg4[%add3A_44, %dma_wait3A_120] : memref<800x1024xf32, #tpu.memory_space<hbm>> -> memref<8x1024xf32, #tpu.memory_space<hbm>>
      %dma_wait3A_122 = arith.constant 0 : i32
      %dma_wait3A_123 = arith.constant 0 : i32
      %dma_wait3A_124 = tpu.memref_slice %arg6[%dma_wait3A_122, %dma_wait3A_123] : memref<32x1024xf32, #tpu.memory_space<vmem>> -> memref<8x1024xf32, #tpu.memory_space<vmem>>
      tpu.wait_dma2 semaphore(%arg11 : memref<!tpu.dma_semaphore, #tpu.memory_space<semaphore_mem>>) src(%dma_wait3A_124 : memref<8x1024xf32, #tpu.memory_space<vmem>>) dst(%dma_wait3A_121 : memref<8x1024xf32, #tpu.memory_space<hbm>>)
      %dma_wait3A_125 = arith.constant 8 : i32
      %dma_wait3A_126 = arith.constant 0 : i32
      %dma_wait3A_127 = tpu.memref_slice %arg6[%dma_wait3A_125, %dma_wait3A_126] : memref<32x1024xf32, #tpu.memory_space<vmem>> -> memref<8x1024xf32, #tpu.memory_space<vmem>>
      %dma_wait3A_128 = arith.constant 0 : i32
      %dma_wait3A_129 = tpu.memref_slice %arg4[%add3A_64, %dma_wait3A_128] : memref<800x1024xf32, #tpu.memory_space<hbm>> -> memref<8x1024xf32, #tpu.memory_space<hbm>>
      %dma_wait3A_130 = arith.constant 0 : i32
      %dma_wait3A_131 = tpu.memref_slice %arg4[%add3A_64, %dma_wait3A_130] : memref<800x1024xf32, #tpu.memory_space<hbm>> -> memref<8x1024xf32, #tpu.memory_space<hbm>>
      %dma_wait3A_132 = arith.constant 8 : i32
      %dma_wait3A_133 = arith.constant 0 : i32
      %dma_wait3A_134 = tpu.memref_slice %arg6[%dma_wait3A_132, %dma_wait3A_133] : memref<32x1024xf32, #tpu.memory_space<vmem>> -> memref<8x1024xf32, #tpu.memory_space<vmem>>
      tpu.wait_dma2 semaphore(%arg11 : memref<!tpu.dma_semaphore, #tpu.memory_space<semaphore_mem>>) src(%dma_wait3A_134 : memref<8x1024xf32, #tpu.memory_space<vmem>>) dst(%dma_wait3A_131 : memref<8x1024xf32, #tpu.memory_space<hbm>>)
      %dma_wait3A_135 = arith.constant 16 : i32
      %dma_wait3A_136 = arith.constant 0 : i32
      %dma_wait3A_137 = tpu.memref_slice %arg6[%dma_wait3A_135, %dma_wait3A_136] : memref<32x1024xf32, #tpu.memory_space<vmem>> -> memref<8x1024xf32, #tpu.memory_space<vmem>>
      %dma_wait3A_138 = arith.constant 0 : i32
      %dma_wait3A_139 = tpu.memref_slice %arg4[%add3A_84, %dma_wait3A_138] : memref<800x1024xf32, #tpu.memory_space<hbm>> -> memref<8x1024xf32, #tpu.memory_space<hbm>>
      %dma_wait3A_140 = arith.constant 0 : i32
      %dma_wait3A_141 = tpu.memref_slice %arg4[%add3A_84, %dma_wait3A_140] : memref<800x1024xf32, #tpu.memory_space<hbm>> -> memref<8x1024xf32, #tpu.memory_space<hbm>>
      %dma_wait3A_142 = arith.constant 16 : i32
      %dma_wait3A_143 = arith.constant 0 : i32
      %dma_wait3A_144 = tpu.memref_slice %arg6[%dma_wait3A_142, %dma_wait3A_143] : memref<32x1024xf32, #tpu.memory_space<vmem>> -> memref<8x1024xf32, #tpu.memory_space<vmem>>
      tpu.wait_dma2 semaphore(%arg11 : memref<!tpu.dma_semaphore, #tpu.memory_space<semaphore_mem>>) src(%dma_wait3A_144 : memref<8x1024xf32, #tpu.memory_space<vmem>>) dst(%dma_wait3A_141 : memref<8x1024xf32, #tpu.memory_space<hbm>>)
      %dma_wait3A_145 = arith.constant 24 : i32
      %dma_wait3A_146 = arith.constant 0 : i32
      %dma_wait3A_147 = tpu.memref_slice %arg6[%dma_wait3A_145, %dma_wait3A_146] : memref<32x1024xf32, #tpu.memory_space<vmem>> -> memref<8x1024xf32, #tpu.memory_space<vmem>>
      %dma_wait3A_148 = arith.constant 0 : i32
      %dma_wait3A_149 = tpu.memref_slice %arg4[%add3A_104, %dma_wait3A_148] : memref<800x1024xf32, #tpu.memory_space<hbm>> -> memref<8x1024xf32, #tpu.memory_space<hbm>>
      %dma_wait3A_150 = arith.constant 0 : i32
      %dma_wait3A_151 = tpu.memref_slice %arg4[%add3A_104, %dma_wait3A_150] : memref<800x1024xf32, #tpu.memory_space<hbm>> -> memref<8x1024xf32, #tpu.memory_space<hbm>>
      %dma_wait3A_152 = arith.constant 24 : i32
      %dma_wait3A_153 = arith.constant 0 : i32
      %dma_wait3A_154 = tpu.memref_slice %arg6[%dma_wait3A_152, %dma_wait3A_153] : memref<32x1024xf32, #tpu.memory_space<vmem>> -> memref<8x1024xf32, #tpu.memory_space<vmem>>
      tpu.wait_dma2 semaphore(%arg11 : memref<!tpu.dma_semaphore, #tpu.memory_space<semaphore_mem>>) src(%dma_wait3A_154 : memref<8x1024xf32, #tpu.memory_space<vmem>>) dst(%dma_wait3A_151 : memref<8x1024xf32, #tpu.memory_space<hbm>>)
    } else {
    }
    return
  }
}

</mosaic_0001>

<sc_bundles>
// kernel: kernel.3.cloned.1.call-start
scs
__scs_entry_jumppad:
0x0: {  	(pc) =	sbr.rel $0x88, $3  }
0x1: {  	(tag) =	ssettag $0x0;
	lr =	simm.s32 $0x1  }
0x2: {  	[smem:$0x3F9F] =	sst lr;
	_ =	strace $0xD0000000  }
0x3: {  	_ = 	snop  }
0x4: {  	_ = 	snop  }
0x5: {  	_ = 	snop  }
0x6: {  	_ = 	snop  }
0x7: {  	_ = 	snop  }
__scs_overlays_trampoline_lowered:
0x8: {  	[smem:$0x3FAE] =	sst s0  }
0x9: {  	[smem:$0x3FAF] =	sst s1  }
0xa: {  	[smem:$0x3FB0] =	sst s2  }
0xb: {  	[smem:$0x3FB1] =	sst s3  }
0xc: {  	[smem:$0x3FB2] =	sst s4  }
0xd: {  	[smem:$0x3FB3] =	sst s5  }
0xe: {  	[smem:$0x3FB4] =	sst s6  }
0xf: {  	[smem:$0x3FB5] =	sst s7  }
0x10: {  	[smem:$0x3FB6] =	sst s8  }
0x11: {  	[smem:$0x3FB7] =	sst s9;
	s0 =	simm.s32 @!p0 $0x0  }
0x12: {  	s1 =	sld [smem:$0x3F9D];
	s0 =	simm.s32 @p0 $0x1  }
0x13: {  	[smem:$0x3FB8] =	sst s0;
	s0 =	simm.s32 @!p1 $0x0  }
0x14: {  	s2 =	sld [smem:$0x3F9C];
	s0 =	simm.s32 @p1 $0x1  }
0x15: {  	[smem:$0x3FB9] =	sst s0;
	s0 =	simm.s32 @!p2 $0x0  }
0x16: {  	s3 =	sld [smem:$0x3FDB];
	s0 =	simm.s32 @p2 $0x1  }
0x17: {  	s4 =	simm.s32 $0x1BF5;
	[smem:$0x3FBB] =	sst s0  }
0x18: {  	s0 =	sld [smem:$0x3F9E];
	_ =	swait.ge [sflag:s4], $0x0  }
0x19: {  	s7 =	sld [smem:$0x3F9F]  }
0x1a: {  	s8 =	sadd.s32 $0xFFFFE003, lr  }
0x1b: {  	s9 =	sadd.s32 $0xFFFFFEF7, lr;
	s5 =	simm.s32 $0xFFFFFFFF;
	p2 =	slt.u32 s8, $0xFFFFF086  }
0x1c: {  	p1 =	slt.u32 s9, $0xF7A;
	s5 =	simm.s32 @!p2 $0x0  }
0x1d: {  	s5 =	simm.s32 @p1 $0x1;
	p0 =	seq.s32 s7, s2  }
0x1e: {  	s7 =	smul.u32 @!p0 $0xF7A, s2;
	p2 =	seq.s32 @!p0 s5, $0x0  }
0x1f: {  	s9 =	smul.u32 $0xF7A, s1;
	s8 =	simm.s32 @!p0 $0x1BF5;
	p2 =	por !p2, p0  }
0x20: {  	[sflag:s8] =	ssyncset.s32 @!p0 $0xFFFFF086;
	s6 =	sadd.s32 @!p0 s3, s7;
	s7 =	simm.s32 @!p0 $0x108  }
0x21: {  	s3 =	sadd.s32 s3, s9;
	s6 =	sadd.s32 @!p0 $0x88, s6;
	s7 =	simm.s32 @p2 $0x1082  }
0x22: {  	[simem:s7], [sflag:s8] =	dma.local @!p0 [hbm:s6], $0xF7A  }
0x23: {  	s9 =	sor.u32 $0xD0000000, s2;
	s6 =	simm.s32 $0x108;
	_ =	swait.ge @!p0 [sflag:s8], $0x0  }
0x24: {  	s3 =	sadd.s32 $0x88, s3;
	s6 =	simm.s32 @!p1 $0x1082;
	[sflag:s4] =	ssyncset.s32 $0xFFFFF086  }
0x25: {  	[simem:s6], [sflag:s4] =	dma.local [hbm:s3], $0xF7A  }
0x26: {  	[smem:$0x3F9F] =	sst s1;
	(tag) =	ssettag s2;
	_ =	strace s9  }
0x27: {  	s1 =	sld [smem:$0x3FAF]  }
0x28: {  	s2 =	sld [smem:$0x3FB0]  }
0x29: {  	s4 =	sld [smem:$0x3FB2]  }
0x2a: {  	p0 =	seq.s32 s5, $0x0;
	s5 =	sld [smem:$0x3FB3]  }
0x2b: {  	s6 =	sld [smem:$0x3FB4]  }
0x2c: {  	s7 =	sld [smem:$0x3FB5]  }
0x2d: {  	s3 =	simm.s32 $0x108;
	s8 =	sld [smem:$0x3FB6]  }
0x2e: {  	s3 =	simm.s32 @!p0 $0x1082;
	s9 =	sld [smem:$0x3FB7]  }
0x2f: {  	lr =	sadd.s32 s0, s3;
	s0 =	sld [smem:$0x3FAE]  }
0x30: {  	s3 =	sld [smem:$0x3FB1]  }
0x31: {  	[smem:$0x3FBA] =	sst s10  }
0x32: {  	s10 =	sld [smem:$0x3FB8];
	_ =	sdelay $0x3  }
0x33: {  	p0 =	seq.s32 s10, $0x1;
	s10 =	sld [smem:$0x3FBA];
	_ =	sdelay $0x3  }
0x34: {  	[smem:$0x3FBA] =	sst s10  }
0x35: {  	s10 =	sld [smem:$0x3FB9];
	_ =	sdelay $0x3  }
0x36: {  	p1 =	seq.s32 s10, $0x1;
	s10 =	sld [smem:$0x3FBA];
	_ =	sdelay $0x3  }
0x37: {  	[smem:$0x3FBA] =	sst s10  }
0x38: {  	s10 =	sld [smem:$0x3FBB]  }
0x39: {  	_ = 	snop;
	(pc) =	sbr.ind lr, $3  }
0x3a: {  	_ = 	snop  }
0x3b: {  	_ = 	snop  }
0x3c: {  	p2 =	seq.s32 s10, $0x1;
	s10 =	sld [smem:$0x3FBA]  }
0x3d: {  	_ =	shalt  }
0x3e: {  	_ =	shalt  }
0x3f: {  	_ =	shalt  }
0x40: {  	_ =	shalt  }
0x41: {  	_ =	shalt  }
0x42: {  	_ =	shalt  }
0x43: {  	_ =	shalt  }
0x44: {  	_ =	shalt  }
0x45: {  	_ =	shalt  }
0x46: {  	_ =	shalt  }
0x47: {  	_ =	shalt  }
0x48: {  	_ =	shalt  }
0x49: {  	_ =	shalt  }
0x4a: {  	_ =	shalt  }
0x4b: {  	_ =	shalt  }
0x4c: {  	_ =	shalt  }
0x4d: {  	_ =	shalt  }
0x4e: {  	_ =	shalt  }
0x4f: {  	_ =	shalt  }
0x50: {  	_ =	shalt  }
0x51: {  	_ =	shalt  }
0x52: {  	_ =	shalt  }
0x53: {  	_ =	shalt  }
0x54: {  	_ =	shalt  }
0x55: {  	_ =	shalt  }
0x56: {  	_ =	shalt  }
0x57: {  	_ =	shalt  }
0x58: {  	_ =	shalt  }
0x59: {  	_ =	shalt  }
0x5a: {  	_ =	shalt  }
0x5b: {  	_ =	shalt  }
0x5c: {  	_ =	shalt  }
0x5d: {  	_ =	shalt  }
0x5e: {  	_ =	shalt  }
0x5f: {  	_ =	shalt  }
0x60: {  	_ =	shalt  }
0x61: {  	_ =	shalt  }
0x62: {  	_ =	shalt  }
0x63: {  	_ =	shalt  }
0x64: {  	_ =	shalt  }
0x65: {  	_ =	shalt  }
0x66: {  	_ =	shalt  }
0x67: {  	_ =	shalt  }
0x68: {  	_ =	shalt  }
0x69: {  	_ =	shalt  }
0x6a: {  	_ =	shalt  }
0x6b: {  	_ =	shalt  }
0x6c: {  	_ =	shalt  }
0x6d: {  	_ =	shalt  }
0x6e: {  	_ =	shalt  }
0x6f: {  	_ =	shalt  }
0x70: {  	_ =	shalt  }
0x71: {  	_ =	shalt  }
0x72: {  	_ =	shalt  }
0x73: {  	_ =	shalt  }
0x74: {  	_ =	shalt  }
0x75: {  	_ =	shalt  }
0x76: {  	_ =	shalt  }
0x77: {  	_ =	shalt  }
0x78: {  	_ =	shalt  }
0x79: {  	_ =	shalt  }
0x7a: {  	_ =	shalt  }
0x7b: {  	_ =	shalt  }
0x7c: {  	_ =	shalt  }
0x7d: {  	_ =	shalt  }
0x7e: {  	_ =	shalt  }
0x7f: {  	_ =	shalt  }
0x80: {  	_ =	shalt  }
0x81: {  	_ =	shalt  }
0x82: {  	_ =	shalt  }
0x83: {  	_ =	shalt  }
0x84: {  	_ =	shalt  }
0x85: {  	_ =	shalt  }
0x86: {  	_ =	shalt  }
0x87: {  	_ =	shalt  }
.Lfunc_end0:
.L_simem_size_0:
called_computation_lowered:
.L_overlay_start_0:
0x88: {  	s2 =	sld [smem:$0x3FD9]  }
0x89: {  	s3 =	sld [smem:$0x3FFE];
	_ =	sdelay $0x1  }
0x8a: {  	s1 =	srdreg.scid  }
0x8b: {  	s0 =	sand.u32 $0x1, s1  }
0x8c: {  	s17 =	sshll.u32 s0, $0xA;
	s2 =	sadd.s32 s3, s2  }
0x8d: {  	s2 =	sadd.s32 s2, s17  }
0x8e: {  	[smem:$0x3FC6] =	sst s2  }
0x8f: {  	_ = 	snop  }
0x90: {  	s2 =	sld [smem:$0x3FC9]  }
0x91: {  	s18 =	sld [smem:$0x3FD0];
	(tm) =	ssettm $0x1  }
0x92: {  	s4 =	sld [smem:$0x3FFB];
	_ =	sdelay $0x3  }
0x93: {  	_ =	strace s4  }
0x94: {  	s4 =	sld [smem:$0x3FFC];
	_ =	sdelay $0x3  }
0x95: {  	_ =	strace s4  }
0x96: {  	s4 =	sld [smem:$0x3FFD];
	_ =	sdelay $0x3  }
0x97: {  	_ =	strace s4  }
0x98: {  	_ =	strace $0x8FFFFFFF  }
0x99: {  	s19 =	sld [smem:$0x3FDB];
	_ =	sdelay $0x1  }
0x9a: {  	s5 =	simm.s32 $_scs_section_size  }
0x9b: {  	s6 =	simm.s32 $_size__tile_overlayer_lowered;
	s7 =	simm.s32 $_tile_overlayer_lowered  }
0x9c: {  	s22 =	simm.s32 $0x1BFF;
	s21 =	sshll.u32 s7, $0x1;
	s4 =	sadd.s32 s5, s19  }
0x9d: {  	s8 =	simm.s32 $0x0;
	s20 =	sshll.u32 s6, $0x1;
	s6 =	sadd.s32 s21, s4  }
0x9e: {  	[timem:s8], [sflag:s22] =	dma.local [hbm:s6], s20  }
0x9f: {  	_ =	swait.ge [sflag:s22], s20  }
0xa0: {  	s5 =	ssub.s32 $0x0, s20;
	[sflag:s22] =	ssyncset.done $0x0  }
0xa1: {  	[sflag:s22] =	ssyncadd.s32 s5;
	_ =	sdelay $0x1  }
0xa2: {  	s23 =	simm.s32 $0x1B8B  }
0xa3: {  	_ =	swait.ge [sflag:s23], $0x1  }
0xa4: {  	[sflag:s23] =	ssyncset.done $0x0  }
0xa5: {  	s25 =	simm.s32 $0x1B8E;
	s24 =	sld [smem:$0x3FFE];
	[sflag:s23] =	ssyncadd.s32 $0xFFFFFFFF  }
0xa6: {  	s26 =	simm.s32 $execute0_lowered;
	[smem:$0x3FD2] =	sst s25  }
0xa7: {  	s6 =	sshll.u32 s26, $0x1;
	_ =	strace $0x80000046;
	[dreg:$0x1] =	wrdreg $0xFFFFFFFF  }
0xa8: {  	s28 =	simm.s32 $_size_execute0_lowered;
	s4 =	sadd.s32 s4, s6;
	[dreg:$0x0] =	wrdreg $0x0  }
0xa9: {  	s6 =	sshll.u32 s28, $0x1;
	[dreg:$0x2] =	wrdreg s4  }
0xaa: {  	[dreg:$0x3] =	wrdreg s6  }
0xab: {  	[dreg:$0x4] =	wrdreg $0xC0  }
0xac: {  	_ =	task [dreg:s8], $0x5FFFF  }
0xad: {  	[dreg:$0x1] =	wrdreg $0xFFFFFFFF  }
0xae: {  	[dreg:$0x0] =	wrdreg $0x60  }
0xaf: {  	[dreg:$0x2] =	wrdreg s2  }
0xb0: {  	[dreg:$0x3] =	wrdreg s18  }
0xb1: {  	[dreg:$0x4] =	wrdreg s24  }
0xb2: {  	[dreg:$0x5] =	wrdreg $0x9  }
0xb3: {  	_ =	task.clear_ibuf [dreg:s8], $0x6FFFF;
	_ =	strace $0x90000046  }
0xb4: {  	s29 =	simm.s32 $0x9;
	_ =	strace $0x80000048  }
0xb5: {  	_ =	swait.ge [sflag:s29], $0x1  }
0xb6: {  	[sflag:s29] =	ssyncadd.s32 $0xFFFFFFFF  }
0xb7: {  	_ =	strace $0x90000048  }
0xb8: {  	_ =	sfence  }
0xb9: {  	s30 =	sld [smem:$0x0];
	_ =	sdelay $0x2  }
0xba: {  	s31 =	sshll.u32 s1, $0xD;
	s1 =	sshrl.u32 s1, $0x2  }
0xbb: {  	s3 =	sand.u32 $0x4000, s31;
	s1 =	sadd.s32 s1, s30  }
0xbc: {  	s0 =	sor.u32 s3, s0;
	s1 =	sshll.u32 s1, $0x11  }
0xbd: {  	s0 =	sor.u32 s1, s0  }
0xbe: {  	s0 =	sadd.s32 $0x8F2B, s0  }
0xbf: {  	[sflag:s0] =	ssyncadd.remote.s32 $0x1  }
0xc0: {  	_ =	sfence.sel $0xFFFF  }
0xc1: {  	[dreg:$0x0] =	wrdreg $0xFFFFFFFF;
	(pc) =	sbr.abs _section_cstart, $3  }
0xc2: {  	[dreg:$0x1] =	wrdreg $0xFFFFFFFF  }
0xc3: {  	_ =	task.clear_ibuf [dreg:s8], $0x2FFFF;
	_ =	strace $0x9FFFFFFF  }
0xc4: {  	(tm) =	ssettm $0x7FFFFFFF  }
0xc5: {  	_ =	shalt  }
tec
execute0_lowered:
.L_overlay_start_1:
0x0: {  	(tag) =	ssettag $0x1  }
0x1: {  	s3 =	srdreg.scid;
	s0 =	stileid.u32  }
0x2: {  	s6 =	sand.u32 $0x1, s3;
	s5 =	sshll.u32 s0, $0x1  }
0x3: {  	s8 =	sor.u32 s6, s5  }
0x4: {  	p0 =	sgt.u32 s8, $0x18  }
.Ltmp0:
0x5: {  	_ = 	snop;
	(pc) =	sbr.rel @p0 .LBB2_3-.Ltmp0, $4  }
0x6: {  	s1 =	rddreg [dreg:$0x0]  }
0x7: {  	s2 =	rddreg [dreg:$0x1];
	s3 =	simm.s32 $0x0  }
0x8: {  	[smem:$0x7FF] =	sst s3  }
0x9: {  	s4 =	rddreg [dreg:$0x2];
	_ =	strace $0x80000047  }
0xa: {  	s5 =	sshll.u32 s8, $0xC  }
0xb: {  	s10 =	ssub.s32 $0x2, s6;
	s6 =	sadd.s32 $0x300, s1;
	s26 =	sshll.u32 s8, $0x2  }
0xc: {  	s11 =	simm.s32 $0x80;
	s12 =	simm.s32 $0x880;
	s13 =	simm.s32 $0x1080  }
0xd: {  	s14 =	simm.s32 $0x1880;
	s15 =	simm.s32 $0x2080;
	s16 =	simm.s32 $0x2880  }
0xe: {  	s17 =	simm.s32 $0x3080;
	s18 =	simm.s32 $0x3880;
	s19 =	simm.s32 $0x4080  }
0xf: {  	s20 =	simm.s32 $0x4880;
	s21 =	simm.s32 $0x5080;
	s22 =	simm.s32 $0x5880  }
0x10: {  	s28 =	simm.s32 $0x1;
	s29 =	simm.s32 $0x2;
	s30 =	simm.s32 $0x3  }
0x11: {  	s31 =	simm.s32 $0x4;
	s7 =	sadd.s32 s5, s4;
	s4 =	sadd.s32 $0x100, s1  }
0x12: {  	s5 =	sadd.s32 $0x200, s1;
	s25 =	sshrl.u32 s10, $0x1;
	s9 =	sadd.s32 $0x400, s7  }
0x13: {  	s8 =	sadd.s32 s2, s26;
	s23 =	sadd.s32 $0x800, s7;
	[dreg:$0x4] =	wrdreg s9  }
0x14: {  	s26 =	simm.s32 $0x7880;
	s24 =	sadd.s32 $0xC00, s7;
	[dreg:$0x5] =	wrdreg s23  }
0x15: {  	v0 =	vlaneseq.u32;
	s2 =	simm.s32 $0x5;
	s7 =	sadd.s32 $0x1000, s7;
	[dreg:$0x6] =	wrdreg s24  }
0x16: {  	v1 =	vshrl.u32 v0, $0x3;
	s9 =	ssub.s32 s10, s25;
	s10 =	simm.s32 $0x6;
	s23 =	simm.s32 $0x6080  }
0x17: {  	vm0 =	vmmov $0xffff;
	v0 =	vand.u32 $0x7, v0;
	v1 =	vmul.u32 $0x8, v1;
	s24 =	simm.s32 $0x6880;
	s25 =	simm.s32 $0x7080;
	s9 =	smax.u32 s9, $0x1  }
.LBB2_2:
0x18: {  	[tilespmem:s3], [sflag:$0x6] =	stream.linear.gather [hbm4b:s8+s3], $0x20, $0x38;
	[tilespmem:$0x8080] =	vst v63  }
0x19: {  	_ =	swait.ge [sflag:s10], $0x20  }
0x1a: {  	[sflag:s10] =	ssyncset.done $0x0  }
0x1b: {  	[sflag:s10] =	ssyncadd.s32 $0xFFFFFFE0  }
0x1c: {  	v2 =	vld.msk [tilespmem:$0x0], $0xff;
	_ =	sdelay $0x4  }
0x1d: {  	v3 =	vshll.u32 v2, $0x3  }
0x1e: {  	v2 =	vand.u32 $0x7, v2;
	v3 =	vand.u32 $0xFFFFFFC0, v3  }
0x1f: {  	v2 =	vor.u32 v2, v3  }
0x20: {  	v2 =	vperm.xlane v2, v0;
	_ =	sdelay $0x1  }
0x21: {  	v2 =	vadd.s32 v1, v2;
	_ =	sdelay $0x4  }
0x22: {  	[tilespmem:s11], [sflag:$0x1] =	stream.indirect_vreg.gather [hbm4b:s1+s3], $0x80, v2, vm0, $0xb8;
	[tilespmem:$0x8080] =	vst v63  }
0x23: {  	_ = 	snop  }
0x24: {  	[tilespmem:s12], [sflag:$0x1] =	stream.indirect_vreg.gather [hbm4b:s4+s3], $0x80, v2, vm0, $0xb8;
	[tilespmem:$0x8080] =	vst v63  }
0x25: {  	_ = 	snop  }
0x26: {  	[tilespmem:s13], [sflag:$0x1] =	stream.indirect_vreg.gather [hbm4b:s5+s3], $0x80, v2, vm0, $0xb8;
	[tilespmem:$0x8080] =	vst v63  }
0x27: {  	_ = 	snop  }
0x28: {  	[tilespmem:s14], [sflag:$0x1] =	stream.indirect_vreg.gather [hbm4b:s6+s3], $0x80, v2, vm0, $0xb8;
	[tilespmem:$0x8080] =	vst v63  }
0x29: {  	v2 =	vld.msk [tilespmem:$0x8], $0xff;
	_ =	sdelay $0x4  }
0x2a: {  	v3 =	vshll.u32 v2, $0x3  }
0x2b: {  	v2 =	vand.u32 $0x7, v2;
	v3 =	vand.u32 $0xFFFFFFC0, v3  }
0x2c: {  	v2 =	vor.u32 v2, v3  }
0x2d: {  	v2 =	vperm.xlane v2, v0;
	_ =	sdelay $0x1  }
0x2e: {  	v2 =	vadd.s32 v1, v2;
	_ =	sdelay $0x4  }
0x2f: {  	[tilespmem:s15], [sflag:$0x2] =	stream.indirect_vreg.gather [hbm4b:s1+s3], $0x80, v2, vm0, $0xb8;
	[tilespmem:$0x8080] =	vst v63  }
0x30: {  	_ = 	snop  }
0x31: {  	[tilespmem:s16], [sflag:$0x2] =	stream.indirect_vreg.gather [hbm4b:s4+s3], $0x80, v2, vm0, $0xb8;
	[tilespmem:$0x8080] =	vst v63  }
0x32: {  	_ = 	snop  }
0x33: {  	[tilespmem:s17], [sflag:$0x2] =	stream.indirect_vreg.gather [hbm4b:s5+s3], $0x80, v2, vm0, $0xb8;
	[tilespmem:$0x8080] =	vst v63  }
0x34: {  	_ = 	snop  }
0x35: {  	[tilespmem:s18], [sflag:$0x2] =	stream.indirect_vreg.gather [hbm4b:s6+s3], $0x80, v2, vm0, $0xb8;
	[tilespmem:$0x8080] =	vst v63  }
0x36: {  	v2 =	vld.msk [tilespmem:$0x10], $0xff;
	_ =	sdelay $0x4  }
0x37: {  	v3 =	vshll.u32 v2, $0x3  }
0x38: {  	v2 =	vand.u32 $0x7, v2;
	v3 =	vand.u32 $0xFFFFFFC0, v3  }
0x39: {  	v2 =	vor.u32 v2, v3  }
0x3a: {  	v2 =	vperm.xlane v2, v0;
	_ =	sdelay $0x1  }
0x3b: {  	v2 =	vadd.s32 v1, v2;
	_ =	sdelay $0x4  }
0x3c: {  	[tilespmem:s19], [sflag:$0x3] =	stream.indirect_vreg.gather [hbm4b:s1+s3], $0x80, v2, vm0, $0xb8;
	[tilespmem:$0x8080] =	vst v63  }
0x3d: {  	_ = 	snop  }
0x3e: {  	[tilespmem:s20], [sflag:$0x3] =	stream.indirect_vreg.gather [hbm4b:s4+s3], $0x80, v2, vm0, $0xb8;
	[tilespmem:$0x8080] =	vst v63  }
0x3f: {  	_ = 	snop  }
0x40: {  	[tilespmem:s21], [sflag:$0x3] =	stream.indirect_vreg.gather [hbm4b:s5+s3], $0x80, v2, vm0, $0xb8;
	[tilespmem:$0x8080] =	vst v63  }
0x41: {  	_ = 	snop  }
0x42: {  	[tilespmem:s22], [sflag:$0x3] =	stream.indirect_vreg.gather [hbm4b:s6+s3], $0x80, v2, vm0, $0xb8;
	[tilespmem:$0x8080] =	vst v63  }
0x43: {  	v2 =	vld.msk [tilespmem:$0x18], $0xff;
	_ =	sdelay $0x4  }
0x44: {  	v3 =	vshll.u32 v2, $0x3  }
0x45: {  	v2 =	vand.u32 $0x7, v2;
	v3 =	vand.u32 $0xFFFFFFC0, v3  }
0x46: {  	v2 =	vor.u32 v2, v3  }
0x47: {  	v2 =	vperm.xlane v2, v0;
	_ =	sdelay $0x1  }
0x48: {  	v2 =	vadd.s32 v1, v2;
	_ =	sdelay $0x4  }
0x49: {  	[tilespmem:s23], [sflag:$0x4] =	stream.indirect_vreg.gather [hbm4b:s1+s3], $0x80, v2, vm0, $0xb8;
	[tilespmem:$0x8080] =	vst v63  }
0x4a: {  	_ = 	snop  }
0x4b: {  	[tilespmem:s24], [sflag:$0x4] =	stream.indirect_vreg.gather [hbm4b:s4+s3], $0x80, v2, vm0, $0xb8;
	[tilespmem:$0x8080] =	vst v63  }
0x4c: {  	_ = 	snop  }
0x4d: {  	[tilespmem:s25], [sflag:$0x4] =	stream.indirect_vreg.gather [hbm4b:s5+s3], $0x80, v2, vm0, $0xb8;
	[tilespmem:$0x8080] =	vst v63  }
0x4e: {  	_ = 	snop  }
0x4f: {  	[tilespmem:s26], [sflag:$0x4] =	stream.indirect_vreg.gather [hbm4b:s6+s3], $0x80, v2, vm0, $0xb8;
	[tilespmem:$0x8080] =	vst v63  }
0x50: {  	_ =	swait.ge [sflag:s28], $0x2000  }
0x51: {  	[sflag:s28] =	ssyncset.done $0x0  }
0x52: {  	s0 =	rddreg [dreg:$0x4];
	[sflag:s28] =	ssyncadd.s32 $0xFFFFE000  }
0x53: {  	[hbm4b:s0+s3] =	stream.linear.scatter [tilespmem:s11], [sflag:$0x5], $0x2000, $0x38;
	[tilespmem:$0x8080] =	vst v63  }
0x54: {  	_ =	swait.ge [sflag:s29], $0x2000  }
0x55: {  	[sflag:s29] =	ssyncset.done $0x0  }
0x56: {  	s0 =	rddreg [dreg:$0x5];
	[sflag:s29] =	ssyncadd.s32 $0xFFFFE000  }
0x57: {  	[hbm4b:s0+s3] =	stream.linear.scatter [tilespmem:s15], [sflag:$0x5], $0x2000, $0x38;
	[tilespmem:$0x8080] =	vst v63  }
0x58: {  	_ =	swait.ge [sflag:s30], $0x2000  }
0x59: {  	[sflag:s30] =	ssyncset.done $0x0  }
0x5a: {  	s0 =	rddreg [dreg:$0x6];
	[sflag:s30] =	ssyncadd.s32 $0xFFFFE000  }
0x5b: {  	[hbm4b:s0+s3] =	stream.linear.scatter [tilespmem:s19], [sflag:$0x5], $0x2000, $0x38;
	[tilespmem:$0x8080] =	vst v63  }
0x5c: {  	_ =	swait.ge [sflag:s31], $0x2000  }
0x5d: {  	[sflag:s31] =	ssyncset.done $0x0  }
0x5e: {  	[sflag:s31] =	ssyncadd.s32 $0xFFFFE000  }
0x5f: {  	[hbm4b:s7+s3] =	stream.linear.scatter [tilespmem:s23], [sflag:$0x5], $0x2000, $0x38;
	[tilespmem:$0x8080] =	vst v63  }
0x60: {  	_ =	swait.ge [sflag:s2], $0x2000  }
0x61: {  	[sflag:s2] =	ssyncset.done $0x0  }
0x62: {  	[sflag:s2] =	ssyncadd.s32 $0xFFFFE000  }
0x63: {  	_ =	swait.ge [sflag:s2], $0x2000  }
0x64: {  	[sflag:s2] =	ssyncset.done $0x0  }
0x65: {  	[sflag:s2] =	ssyncadd.s32 $0xFFFFE000  }
0x66: {  	p0 =	sne.s32 s9, $0x1;
	_ =	swait.ge [sflag:s2], $0x2000  }
.Ltmp1:
0x67: {  	[sflag:s2] =	ssyncset.done $0x0;
	(pc) =	sbr.rel @p0 .LBB2_2-.Ltmp1, $4  }
0x68: {  	[sflag:s2] =	ssyncadd.s32 $0xFFFFE000  }
0x69: {  	_ =	swait.ge [sflag:s2], $0x2000  }
0x6a: {  	[sflag:s2] =	ssyncset.done $0x0  }
0x6b: {  	s9 =	sadd.s32 $0xFFFFFFFF, s9;
	[sflag:s2] =	ssyncadd.s32 $0xFFFFE000  }
.LBB2_3:
0x6c: {  	_ =	sfence.sel $0x180000  }
0x6d: {  	[bflag:$0x0] =	sbarrier.arrive $0xFFFF  }
0x6e: {  	_ =	strace $0x90000047  }
0x6f: {  	s0 =	stileid.u32;
	[bflag:$0x2] =	sbarrier.arrive $0xFFFF  }
0x70: {  	p0 =	sne.s32 s0, $0x0;
	s0 =	rddreg [dreg:$0x3]  }
0x71: {  	s0 =	sadd.s32 @!p0 $0x100000, s0  }
0x72: {  	[sflag:s0] =	ssyncadd.tile.s32 @!p0 $0x1;
	_ =	shalt  }
.Lfunc_end2:
_tile_overlayer_lowered:
.L_overlay_start_2:
0x73: {  	(tag) =	ssettag $0x2  }
0x74: {  	s0 =	rddreg [dreg:$0x0];
	s2 =	stileid.u32  }
0x75: {  	s1 =	rddreg [dreg:$0x1];
	p0 =	sne.s32 s2, $0x0  }
0x76: {  	s3 =	rddreg [dreg:$0x2];
	[bflag:$0x3] =	sbarrier.arrive $0xFFFF;
	s2 =	simm.s32 @!p0 $0x1C06  }
0x77: {  	[timem:s3], [sflag:s2] =	dma.local @!p0 [hbm:s0], s1  }
0x78: {  	s0 =	simm.s32 @!p0 $0x6  }
0x79: {  	_ =	swait.ge @!p0 [sflag:s0], s1  }
0x7a: {  	s1 =	ssub.s32 @!p0 $0x0, s1;
	[sflag:s0] =	ssyncset.done @!p0 $0x0  }
0x7b: {  	[sflag:s0] =	ssyncadd.s32 @!p0 s1  }
0x7c: {  	[bflag:$0x3] =	sbarrier.arrive $0xFFFF  }
0x7d: {  	_ =	shalt  }

</sc_bundles>
